<compile_context>
chip_gen: v7x
topology: tpu7x:2x2x1
jax: 0.10.2.dev20260603
libtpu: 0.0.44.dev20260713+nightly
codegen_flags: <defaults>
</compile_context>

<pallas_src>
import functools

import jax
import jax.numpy as jnp
from jax import lax
from jax.experimental import pallas as pl
from jax.experimental.pallas import tpu as pltpu
from jax.experimental.pallas import tpu_sc as plsc

_LANES = 16


@jax.jit
def _sc_gather(t_idx, table):
    batch = t_idx.shape[0]
    table_size = table.shape[0]
    info = plsc.get_sparse_core_info()
    num_workers = info.num_subcores
    per_worker = batch // num_workers
    half = per_worker // 2

    mesh = plsc.VectorSubcoreMesh(
        core_axis_name="c", subcore_axis_name="s", num_cores=1
    )

    @functools.partial(
        pl.kernel,
        mesh=mesh,
        out_type=jax.ShapeDtypeStruct((batch,), jnp.float32),
        compiler_params=pltpu.CompilerParams(needs_layout_passes=False),
        scratch_types=[
            pltpu.VMEM((per_worker,), jnp.int32),
            pltpu.VMEM((table_size,), jnp.float32),
            pltpu.VMEM((per_worker,), jnp.float32),
            pltpu.SemaphoreType.DMA,
            pltpu.SemaphoreType.DMA,
        ],
    )
    def gather_kernel(
        t_hbm, table_hbm, out_hbm, idx_v, table_v, out_v, sem_in, sem_out
    ):
        wid = lax.axis_index("s")
        base = wid * per_worker
        cp_idx = pltpu.make_async_copy(
            t_hbm.at[pl.ds(base, per_worker)], idx_v, sem_in
        )
        cp_tab = pltpu.make_async_copy(table_hbm, table_v, sem_in)
        cp_idx.start()
        cp_tab.start()
        cp_idx.wait()
        cp_tab.wait()

        out_copies = []
        for h in range(2):
            @plsc.parallel_loop(h * half, (h + 1) * half, _LANES, unroll=16)
            def body(off):
                idx_vec = idx_v[pl.ds(off, _LANES)]
                out_v[pl.ds(off, _LANES)] = plsc.load_gather(
                    table_v, [idx_vec]
                )

            cp = pltpu.make_async_copy(
                out_v.at[pl.ds(h * half, half)],
                out_hbm.at[pl.ds(base + h * half, half)],
                sem_out,
            )
            cp.start()
            out_copies.append(cp)
        for cp in out_copies:
            cp.wait()

    return gather_kernel(t_idx, table)


def kernel(t_int, betas):
    return _sc_gather(t_int.astype(jnp.int32), betas)

# --- scband reference (transcript-rebuilt; emitter-appended) ---
"""Pipeline reference for scband-predefined-noise-schedule-discrete-4501125726734 (READ-ONLY COPY).

The authoritative reference and input builder live on the scoring server;
editing this copy changes nothing except your own understanding.
"""

import jax, jax.numpy as jnp
import numpy as np

TIMESTEPS = 1000
BATCH = 16384


def _get_diffusion_betas_linear(num_timesteps, start=0.0, stop=1.0):
    # matches diffusion_utils.get_diffusion_betas with type='linear'
    return np.linspace(start, stop, num_timesteps).astype(np.float32)


def setup_inputs(seed: int = 0) -> dict:
    key = jax.random.key(seed)
    betas = jnp.asarray(_get_diffusion_betas_linear(TIMESTEPS))  # buffer built in __init__
    t_int = jax.random.randint(jax.random.fold_in(key, 1), (BATCH,), 0, TIMESTEPS, dtype=jnp.int64 if jax.config.read('jax_enable_x64') else jnp.int32)
    return {"t_int": t_int, "betas": betas}


def reference(t_int, betas):
    # forward(t_int=...): return self.betas[t_int.long()]
    return jnp.take(betas, t_int.astype(jnp.int32), axis=0)

if __name__ == "__main__":
    import jax
    _d = setup_inputs()
    print(jax.jit(kernel)(*tuple(_d.values())))

</pallas_src>

<mosaic_0001>
#map = affine_map<(d0, d1) -> (0)>
module attributes {stable_mosaic.version = 14 : i64} {
  func.func @gather_kernel(%arg0: i32, %arg1: i32, %arg2: memref<16384xi32, #tpu.memory_space<hbm>>, %arg3: memref<1000xf32, #tpu.memory_space<hbm>>, %arg4: memref<16384xf32, #tpu.memory_space<hbm>>, %arg5: memref<1024xi32, #tpu.memory_space<vmem>>, %arg6: memref<1000xf32, #tpu.memory_space<vmem>>, %arg7: memref<1024xf32, #tpu.memory_space<vmem>>, %arg8: memref<!tpu.dma_semaphore, #tpu.memory_space<semaphore_mem>>, %arg9: memref<!tpu.dma_semaphore, #tpu.memory_space<semaphore_mem>>) attributes {dimension_semantics = [#tpu.dimension_semantics<core_parallel>, #tpu.dimension_semantics<subcore_parallel>], iteration_bounds = array<i64: 1, 16>, scalar_prefetch = 0 : i64, scratch_operands = 5 : i64, tpu.core_type = #tpu.core_type<sc_vector_subcore>, window_params = [{transform_indices = #map}, {transform_indices = #map}, {transform_indices = #map}]} {
    %mul3A = arith.constant 1024 : i32
    %mul3A_0 = arith.muli %arg1, %mul3A : i32
    %dma_start3A = tpu.memref_slice %arg2[%mul3A_0] : memref<16384xi32, #tpu.memory_space<hbm>> -> memref<1024xi32, #tpu.memory_space<hbm>>
    %dma_start3A_1 = tpu.memref_slice %arg2[%mul3A_0] : memref<16384xi32, #tpu.memory_space<hbm>> -> memref<1024xi32, #tpu.memory_space<hbm>>
    tpu.enqueue_dma source(%dma_start3A_1 : memref<1024xi32, #tpu.memory_space<hbm>>) target(%arg5 : memref<1024xi32, #tpu.memory_space<vmem>>) target_semaphore(%arg8 : memref<!tpu.dma_semaphore, #tpu.memory_space<semaphore_mem>>)
    tpu.enqueue_dma source(%arg3 : memref<1000xf32, #tpu.memory_space<hbm>>) target(%arg6 : memref<1000xf32, #tpu.memory_space<vmem>>) target_semaphore(%arg8 : memref<!tpu.dma_semaphore, #tpu.memory_space<semaphore_mem>>)
    %dma_wait3A = tpu.memref_slice %arg2[%mul3A_0] : memref<16384xi32, #tpu.memory_space<hbm>> -> memref<1024xi32, #tpu.memory_space<hbm>>
    %dma_wait3A_2 = tpu.memref_slice %arg2[%mul3A_0] : memref<16384xi32, #tpu.memory_space<hbm>> -> memref<1024xi32, #tpu.memory_space<hbm>>
    tpu.wait_dma2 semaphore(%arg8 : memref<!tpu.dma_semaphore, #tpu.memory_space<semaphore_mem>>) src(%dma_wait3A_2 : memref<1024xi32, #tpu.memory_space<hbm>>) dst(%arg5 : memref<1024xi32, #tpu.memory_space<vmem>>)
    tpu.wait_dma2 semaphore(%arg8 : memref<!tpu.dma_semaphore, #tpu.memory_space<semaphore_mem>>) src(%arg3 : memref<1000xf32, #tpu.memory_space<hbm>>) dst(%arg6 : memref<1000xf32, #tpu.memory_space<vmem>>)
    %parallel_loop3A = arith.constant 0 : i32
    %parallel_loop3A_3 = arith.constant 512 : i32
    %parallel_loop3A_4 = arith.constant 16 : i32
    scf.for %parallel_loop3A_35 = %parallel_loop3A to %parallel_loop3A_3 step %parallel_loop3A_4  : i32 {
      %parallel_loop3A_36 = arith.index_cast %parallel_loop3A_35 : i32 to index
      %parallel_loop3A_37 = tpu.vector_load %arg5[%parallel_loop3A_36] {strides = array<i32>} : memref<1024xi32, #tpu.memory_space<vmem>>, vector<16xi32>,
      %parallel_loop3A_38 = tpu.vector_load_idx %arg6[%parallel_loop3A_37] : memref<1000xf32, #tpu.memory_space<vmem>>[vector<16xi32>], vector<16xf32>,
      %parallel_loop3A_39 = arith.index_cast %parallel_loop3A_35 : i32 to index
      %parallel_loop3A_40 = tpu.vector_load %arg7[%parallel_loop3A_39] {strides = array<i32>} : memref<1024xf32, #tpu.memory_space<vmem>>, vector<16xf32>,
      tpu.vector_store %arg7[%parallel_loop3A_39], %parallel_loop3A_38 {strides = array<i32>} : memref<1024xf32, #tpu.memory_space<vmem>>, vector<16xf32>,
    } {sc.loop_unroll_factor = 16 : i64, sc.parallel_access}
    %add3A = arith.constant 0 : i32
    %add3A_5 = arith.addi %mul3A_0, %add3A : i32
    %dma_start3A_6 = arith.constant 0 : i32
    %dma_start3A_7 = tpu.memref_slice %arg7[%dma_start3A_6] : memref<1024xf32, #tpu.memory_space<vmem>> -> memref<512xf32, #tpu.memory_space<vmem>>
    %dma_start3A_8 = tpu.memref_slice %arg4[%add3A_5] : memref<16384xf32, #tpu.memory_space<hbm>> -> memref<512xf32, #tpu.memory_space<hbm>>
    %dma_start3A_9 = tpu.memref_slice %arg4[%add3A_5] : memref<16384xf32, #tpu.memory_space<hbm>> -> memref<512xf32, #tpu.memory_space<hbm>>
    %dma_start3A_10 = arith.constant 0 : i32
    %dma_start3A_11 = tpu.memref_slice %arg7[%dma_start3A_10] : memref<1024xf32, #tpu.memory_space<vmem>> -> memref<512xf32, #tpu.memory_space<vmem>>
    tpu.enqueue_dma source(%dma_start3A_11 : memref<512xf32, #tpu.memory_space<vmem>>) target(%dma_start3A_9 : memref<512xf32, #tpu.memory_space<hbm>>) target_semaphore(%arg9 : memref<!tpu.dma_semaphore, #tpu.memory_space<semaphore_mem>>)
    %parallel_loop3A_12 = arith.constant 512 : i32
    %parallel_loop3A_13 = arith.constant 1024 : i32
    %parallel_loop3A_14 = arith.constant 16 : i32
    scf.for %parallel_loop3A_35 = %parallel_loop3A_12 to %parallel_loop3A_13 step %parallel_loop3A_14  : i32 {
      %parallel_loop3A_36 = arith.index_cast %parallel_loop3A_35 : i32 to index
      %parallel_loop3A_37 = tpu.vector_load %arg5[%parallel_loop3A_36] {strides = array<i32>} : memref<1024xi32, #tpu.memory_space<vmem>>, vector<16xi32>,
      %parallel_loop3A_38 = tpu.vector_load_idx %arg6[%parallel_loop3A_37] : memref<1000xf32, #tpu.memory_space<vmem>>[vector<16xi32>], vector<16xf32>,
      %parallel_loop3A_39 = arith.index_cast %parallel_loop3A_35 : i32 to index
      %parallel_loop3A_40 = tpu.vector_load %arg7[%parallel_loop3A_39] {strides = array<i32>} : memref<1024xf32, #tpu.memory_space<vmem>>, vector<16xf32>,
      tpu.vector_store %arg7[%parallel_loop3A_39], %parallel_loop3A_38 {strides = array<i32>} : memref<1024xf32, #tpu.memory_space<vmem>>, vector<16xf32>,
    } {sc.loop_unroll_factor = 16 : i64, sc.parallel_access}
    %add3A_15 = arith.constant 512 : i32
    %add3A_16 = arith.addi %mul3A_0, %add3A_15 : i32
    %dma_start3A_17 = arith.constant 512 : i32
    %dma_start3A_18 = tpu.memref_slice %arg7[%dma_start3A_17] : memref<1024xf32, #tpu.memory_space<vmem>> -> memref<512xf32, #tpu.memory_space<vmem>>
    %dma_start3A_19 = tpu.memref_slice %arg4[%add3A_16] : memref<16384xf32, #tpu.memory_space<hbm>> -> memref<512xf32, #tpu.memory_space<hbm>>
    %dma_start3A_20 = tpu.memref_slice %arg4[%add3A_16] : memref<16384xf32, #tpu.memory_space<hbm>> -> memref<512xf32, #tpu.memory_space<hbm>>
    %dma_start3A_21 = arith.constant 512 : i32
    %dma_start3A_22 = tpu.memref_slice %arg7[%dma_start3A_21] : memref<1024xf32, #tpu.memory_space<vmem>> -> memref<512xf32, #tpu.memory_space<vmem>>
    tpu.enqueue_dma source(%dma_start3A_22 : memref<512xf32, #tpu.memory_space<vmem>>) target(%dma_start3A_20 : memref<512xf32, #tpu.memory_space<hbm>>) target_semaphore(%arg9 : memref<!tpu.dma_semaphore, #tpu.memory_space<semaphore_mem>>)
    %dma_wait3A_23 = arith.constant 0 : i32
    %dma_wait3A_24 = tpu.memref_slice %arg7[%dma_wait3A_23] : memref<1024xf32, #tpu.memory_space<vmem>> -> memref<512xf32, #tpu.memory_space<vmem>>
    %dma_wait3A_25 = tpu.memref_slice %arg4[%add3A_5] : memref<16384xf32, #tpu.memory_space<hbm>> -> memref<512xf32, #tpu.memory_space<hbm>>
    %dma_wait3A_26 = tpu.memref_slice %arg4[%add3A_5] : memref<16384xf32, #tpu.memory_space<hbm>> -> memref<512xf32, #tpu.memory_space<hbm>>
    %dma_wait3A_27 = arith.constant 0 : i32
    %dma_wait3A_28 = tpu.memref_slice %arg7[%dma_wait3A_27] : memref<1024xf32, #tpu.memory_space<vmem>> -> memref<512xf32, #tpu.memory_space<vmem>>
    tpu.wait_dma2 semaphore(%arg9 : memref<!tpu.dma_semaphore, #tpu.memory_space<semaphore_mem>>) src(%dma_wait3A_28 : memref<512xf32, #tpu.memory_space<vmem>>) dst(%dma_wait3A_26 : memref<512xf32, #tpu.memory_space<hbm>>)
    %dma_wait3A_29 = arith.constant 512 : i32
    %dma_wait3A_30 = tpu.memref_slice %arg7[%dma_wait3A_29] : memref<1024xf32, #tpu.memory_space<vmem>> -> memref<512xf32, #tpu.memory_space<vmem>>
    %dma_wait3A_31 = tpu.memref_slice %arg4[%add3A_16] : memref<16384xf32, #tpu.memory_space<hbm>> -> memref<512xf32, #tpu.memory_space<hbm>>
    %dma_wait3A_32 = tpu.memref_slice %arg4[%add3A_16] : memref<16384xf32, #tpu.memory_space<hbm>> -> memref<512xf32, #tpu.memory_space<hbm>>
    %dma_wait3A_33 = arith.constant 512 : i32
    %dma_wait3A_34 = tpu.memref_slice %arg7[%dma_wait3A_33] : memref<1024xf32, #tpu.memory_space<vmem>> -> memref<512xf32, #tpu.memory_space<vmem>>
    tpu.wait_dma2 semaphore(%arg9 : memref<!tpu.dma_semaphore, #tpu.memory_space<semaphore_mem>>) src(%dma_wait3A_34 : memref<512xf32, #tpu.memory_space<vmem>>) dst(%dma_wait3A_32 : memref<512xf32, #tpu.memory_space<hbm>>)
    return
  }
}

</mosaic_0001>

<sc_bundles>
// kernel: _sc_gather.3.cloned.1.call-start
scs
__scs_entry_jumppad:
0x0: {  	(pc) =	sbr.rel $0x88, $3  }
0x1: {  	(tag) =	ssettag $0x0;
	lr =	simm.s32 $0x1  }
0x2: {  	[smem:$0x3F9F] =	sst lr;
	_ =	strace $0xD0000000  }
0x3: {  	_ = 	snop  }
0x4: {  	_ = 	snop  }
0x5: {  	_ = 	snop  }
0x6: {  	_ = 	snop  }
0x7: {  	_ = 	snop  }
__scs_overlays_trampoline_lowered:
0x8: {  	[smem:$0x3FAE] =	sst s0  }
0x9: {  	[smem:$0x3FAF] =	sst s1  }
0xa: {  	[smem:$0x3FB0] =	sst s2  }
0xb: {  	[smem:$0x3FB1] =	sst s3  }
0xc: {  	[smem:$0x3FB2] =	sst s4  }
0xd: {  	[smem:$0x3FB3] =	sst s5  }
0xe: {  	[smem:$0x3FB4] =	sst s6  }
0xf: {  	[smem:$0x3FB5] =	sst s7  }
0x10: {  	[smem:$0x3FB6] =	sst s8  }
0x11: {  	[smem:$0x3FB7] =	sst s9;
	s0 =	simm.s32 @!p0 $0x0  }
0x12: {  	s1 =	sld [smem:$0x3F9D];
	s0 =	simm.s32 @p0 $0x1  }
0x13: {  	[smem:$0x3FB8] =	sst s0;
	s0 =	simm.s32 @!p1 $0x0  }
0x14: {  	s2 =	sld [smem:$0x3F9C];
	s0 =	simm.s32 @p1 $0x1  }
0x15: {  	[smem:$0x3FB9] =	sst s0;
	s0 =	simm.s32 @!p2 $0x0  }
0x16: {  	s3 =	sld [smem:$0x3FDB];
	s0 =	simm.s32 @p2 $0x1  }
0x17: {  	s4 =	simm.s32 $0x1BF5;
	[smem:$0x3FBB] =	sst s0  }
0x18: {  	s0 =	sld [smem:$0x3F9E];
	_ =	swait.ge [sflag:s4], $0x0  }
0x19: {  	s7 =	sld [smem:$0x3F9F]  }
0x1a: {  	s8 =	sadd.s32 $0xFFFFE003, lr  }
0x1b: {  	s9 =	sadd.s32 $0xFFFFFEF7, lr;
	s5 =	simm.s32 $0xFFFFFFFF;
	p2 =	slt.u32 s8, $0xFFFFF086  }
0x1c: {  	p1 =	slt.u32 s9, $0xF7A;
	s5 =	simm.s32 @!p2 $0x0  }
0x1d: {  	s5 =	simm.s32 @p1 $0x1;
	p0 =	seq.s32 s7, s2  }
0x1e: {  	s7 =	smul.u32 @!p0 $0xF7A, s2;
	p2 =	seq.s32 @!p0 s5, $0x0  }
0x1f: {  	s9 =	smul.u32 $0xF7A, s1;
	s8 =	simm.s32 @!p0 $0x1BF5;
	p2 =	por !p2, p0  }
0x20: {  	[sflag:s8] =	ssyncset.s32 @!p0 $0xFFFFF086;
	s6 =	sadd.s32 @!p0 s3, s7;
	s7 =	simm.s32 @!p0 $0x108  }
0x21: {  	s3 =	sadd.s32 s3, s9;
	s6 =	sadd.s32 @!p0 $0x88, s6;
	s7 =	simm.s32 @p2 $0x1082  }
0x22: {  	[simem:s7], [sflag:s8] =	dma.local @!p0 [hbm:s6], $0xF7A  }
0x23: {  	s9 =	sor.u32 $0xD0000000, s2;
	s6 =	simm.s32 $0x108;
	_ =	swait.ge @!p0 [sflag:s8], $0x0  }
0x24: {  	s3 =	sadd.s32 $0x88, s3;
	s6 =	simm.s32 @!p1 $0x1082;
	[sflag:s4] =	ssyncset.s32 $0xFFFFF086  }
0x25: {  	[simem:s6], [sflag:s4] =	dma.local [hbm:s3], $0xF7A  }
0x26: {  	[smem:$0x3F9F] =	sst s1;
	(tag) =	ssettag s2;
	_ =	strace s9  }
0x27: {  	s1 =	sld [smem:$0x3FAF]  }
0x28: {  	s2 =	sld [smem:$0x3FB0]  }
0x29: {  	s4 =	sld [smem:$0x3FB2]  }
0x2a: {  	p0 =	seq.s32 s5, $0x0;
	s5 =	sld [smem:$0x3FB3]  }
0x2b: {  	s6 =	sld [smem:$0x3FB4]  }
0x2c: {  	s7 =	sld [smem:$0x3FB5]  }
0x2d: {  	s3 =	simm.s32 $0x108;
	s8 =	sld [smem:$0x3FB6]  }
0x2e: {  	s3 =	simm.s32 @!p0 $0x1082;
	s9 =	sld [smem:$0x3FB7]  }
0x2f: {  	lr =	sadd.s32 s0, s3;
	s0 =	sld [smem:$0x3FAE]  }
0x30: {  	s3 =	sld [smem:$0x3FB1]  }
0x31: {  	[smem:$0x3FBA] =	sst s10  }
0x32: {  	s10 =	sld [smem:$0x3FB8];
	_ =	sdelay $0x3  }
0x33: {  	p0 =	seq.s32 s10, $0x1;
	s10 =	sld [smem:$0x3FBA];
	_ =	sdelay $0x3  }
0x34: {  	[smem:$0x3FBA] =	sst s10  }
0x35: {  	s10 =	sld [smem:$0x3FB9];
	_ =	sdelay $0x3  }
0x36: {  	p1 =	seq.s32 s10, $0x1;
	s10 =	sld [smem:$0x3FBA];
	_ =	sdelay $0x3  }
0x37: {  	[smem:$0x3FBA] =	sst s10  }
0x38: {  	s10 =	sld [smem:$0x3FBB]  }
0x39: {  	_ = 	snop;
	(pc) =	sbr.ind lr, $3  }
0x3a: {  	_ = 	snop  }
0x3b: {  	_ = 	snop  }
0x3c: {  	p2 =	seq.s32 s10, $0x1;
	s10 =	sld [smem:$0x3FBA]  }
0x3d: {  	_ =	shalt  }
0x3e: {  	_ =	shalt  }
0x3f: {  	_ =	shalt  }
0x40: {  	_ =	shalt  }
0x41: {  	_ =	shalt  }
0x42: {  	_ =	shalt  }
0x43: {  	_ =	shalt  }
0x44: {  	_ =	shalt  }
0x45: {  	_ =	shalt  }
0x46: {  	_ =	shalt  }
0x47: {  	_ =	shalt  }
0x48: {  	_ =	shalt  }
0x49: {  	_ =	shalt  }
0x4a: {  	_ =	shalt  }
0x4b: {  	_ =	shalt  }
0x4c: {  	_ =	shalt  }
0x4d: {  	_ =	shalt  }
0x4e: {  	_ =	shalt  }
0x4f: {  	_ =	shalt  }
0x50: {  	_ =	shalt  }
0x51: {  	_ =	shalt  }
0x52: {  	_ =	shalt  }
0x53: {  	_ =	shalt  }
0x54: {  	_ =	shalt  }
0x55: {  	_ =	shalt  }
0x56: {  	_ =	shalt  }
0x57: {  	_ =	shalt  }
0x58: {  	_ =	shalt  }
0x59: {  	_ =	shalt  }
0x5a: {  	_ =	shalt  }
0x5b: {  	_ =	shalt  }
0x5c: {  	_ =	shalt  }
0x5d: {  	_ =	shalt  }
0x5e: {  	_ =	shalt  }
0x5f: {  	_ =	shalt  }
0x60: {  	_ =	shalt  }
0x61: {  	_ =	shalt  }
0x62: {  	_ =	shalt  }
0x63: {  	_ =	shalt  }
0x64: {  	_ =	shalt  }
0x65: {  	_ =	shalt  }
0x66: {  	_ =	shalt  }
0x67: {  	_ =	shalt  }
0x68: {  	_ =	shalt  }
0x69: {  	_ =	shalt  }
0x6a: {  	_ =	shalt  }
0x6b: {  	_ =	shalt  }
0x6c: {  	_ =	shalt  }
0x6d: {  	_ =	shalt  }
0x6e: {  	_ =	shalt  }
0x6f: {  	_ =	shalt  }
0x70: {  	_ =	shalt  }
0x71: {  	_ =	shalt  }
0x72: {  	_ =	shalt  }
0x73: {  	_ =	shalt  }
0x74: {  	_ =	shalt  }
0x75: {  	_ =	shalt  }
0x76: {  	_ =	shalt  }
0x77: {  	_ =	shalt  }
0x78: {  	_ =	shalt  }
0x79: {  	_ =	shalt  }
0x7a: {  	_ =	shalt  }
0x7b: {  	_ =	shalt  }
0x7c: {  	_ =	shalt  }
0x7d: {  	_ =	shalt  }
0x7e: {  	_ =	shalt  }
0x7f: {  	_ =	shalt  }
0x80: {  	_ =	shalt  }
0x81: {  	_ =	shalt  }
0x82: {  	_ =	shalt  }
0x83: {  	_ =	shalt  }
0x84: {  	_ =	shalt  }
0x85: {  	_ =	shalt  }
0x86: {  	_ =	shalt  }
0x87: {  	_ =	shalt  }
.Lfunc_end0:
.L_simem_size_0:
called_computation_lowered:
.L_overlay_start_0:
0x88: {  	s0 =	sld [smem:$0x3FD9]  }
0x89: {  	s1 =	sld [smem:$0x3FFE];
	_ =	sdelay $0x3  }
0x8a: {  	s0 =	sadd.s32 s1, s0  }
0x8b: {  	[smem:$0x3FC6] =	sst s0  }
0x8c: {  	_ = 	snop  }
0x8d: {  	s0 =	sld [smem:$0x3FC9]  }
0x8e: {  	s17 =	sld [smem:$0x3FC8]  }
0x8f: {  	s2 =	sld [smem:$0x3FD0];
	(tm) =	ssettm $0x1  }
0x90: {  	s3 =	sld [smem:$0x3FFB];
	_ =	sdelay $0x3  }
0x91: {  	_ =	strace s3  }
0x92: {  	s3 =	sld [smem:$0x3FFC];
	_ =	sdelay $0x3  }
0x93: {  	_ =	strace s3  }
0x94: {  	s3 =	sld [smem:$0x3FFD];
	_ =	sdelay $0x3  }
0x95: {  	_ =	strace s3  }
0x96: {  	_ =	strace $0x8FFFFFFF  }
0x97: {  	s18 =	sld [smem:$0x3FDB];
	_ =	sdelay $0x1  }
0x98: {  	s4 =	simm.s32 $_scs_section_size  }
0x99: {  	s5 =	simm.s32 $_size__tile_overlayer_lowered;
	s6 =	simm.s32 $_tile_overlayer_lowered  }
0x9a: {  	s21 =	simm.s32 $0x1BFF;
	s20 =	sshll.u32 s6, $0x1;
	s3 =	sadd.s32 s4, s18  }
0x9b: {  	s7 =	simm.s32 $0x0;
	s19 =	sshll.u32 s5, $0x1;
	s5 =	sadd.s32 s20, s3  }
0x9c: {  	[timem:s7], [sflag:s21] =	dma.local [hbm:s5], s19  }
0x9d: {  	_ =	swait.ge [sflag:s21], s19  }
0x9e: {  	s4 =	ssub.s32 $0x0, s19;
	[sflag:s21] =	ssyncset.done $0x0  }
0x9f: {  	[sflag:s21] =	ssyncadd.s32 s4;
	_ =	sdelay $0x1  }
0xa0: {  	s22 =	simm.s32 $0x1B8B  }
0xa1: {  	_ =	swait.ge [sflag:s22], $0x1  }
0xa2: {  	[sflag:s22] =	ssyncset.done $0x0  }
0xa3: {  	s23 =	simm.s32 $0x1B8E;
	[sflag:s22] =	ssyncadd.s32 $0xFFFFFFFF  }
0xa4: {  	s24 =	simm.s32 $execute0_lowered;
	[smem:$0x3FD2] =	sst s23  }
0xa5: {  	s4 =	sshll.u32 s24, $0x1;
	_ =	strace $0x80000046;
	[dreg:$0x1] =	wrdreg $0xFFFFFFFF  }
0xa6: {  	s25 =	simm.s32 $_size_execute0_lowered;
	s3 =	sadd.s32 s3, s4;
	[dreg:$0x0] =	wrdreg $0x0  }
0xa7: {  	s4 =	sshll.u32 s25, $0x1;
	[dreg:$0x2] =	wrdreg s3  }
0xa8: {  	[dreg:$0x3] =	wrdreg s4  }
0xa9: {  	[dreg:$0x4] =	wrdreg $0xC0  }
0xaa: {  	_ =	task [dreg:s7], $0x5FFFF  }
0xab: {  	[dreg:$0x1] =	wrdreg $0xFFFFFFFF  }
0xac: {  	[dreg:$0x0] =	wrdreg $0x60  }
0xad: {  	[dreg:$0x2] =	wrdreg s0  }
0xae: {  	[dreg:$0x3] =	wrdreg s17  }
0xaf: {  	[dreg:$0x4] =	wrdreg s2  }
0xb0: {  	[dreg:$0x5] =	wrdreg $0x9  }
0xb1: {  	_ =	task.clear_ibuf [dreg:s7], $0x6FFFF;
	_ =	strace $0x90000046  }
0xb2: {  	s26 =	simm.s32 $0x9;
	_ =	strace $0x80000048  }
0xb3: {  	_ =	swait.ge [sflag:s26], $0x1  }
0xb4: {  	[sflag:s26] =	ssyncadd.s32 $0xFFFFFFFF  }
0xb5: {  	_ =	strace $0x90000048  }
0xb6: {  	_ =	sfence  }
0xb7: {  	s28 =	sld [smem:$0x0];
	_ =	sdelay $0x1  }
0xb8: {  	s29 =	srdreg.scid  }
0xb9: {  	s30 =	sshll.u32 s29, $0xD;
	s31 =	sshrl.u32 s29, $0x2  }
0xba: {  	s1 =	sand.u32 $0x1, s29;
	s2 =	sand.u32 $0x4000, s30;
	s0 =	sadd.s32 s31, s28  }
0xbb: {  	s1 =	sor.u32 s2, s1;
	s0 =	sshll.u32 s0, $0x11  }
0xbc: {  	s0 =	sor.u32 s0, s1  }
0xbd: {  	s0 =	sadd.s32 $0x8F2B, s0  }
0xbe: {  	[sflag:s0] =	ssyncadd.remote.s32 $0x1  }
0xbf: {  	_ =	sfence.sel $0xFFFF  }
0xc0: {  	[dreg:$0x0] =	wrdreg $0xFFFFFFFF;
	(pc) =	sbr.abs _section_cstart, $3  }
0xc1: {  	[dreg:$0x1] =	wrdreg $0xFFFFFFFF  }
0xc2: {  	_ =	task.clear_ibuf [dreg:s7], $0x2FFFF;
	_ =	strace $0x9FFFFFFF  }
0xc3: {  	(tm) =	ssettm $0x7FFFFFFF  }
tec
execute0_lowered:
.L_overlay_start_1:
0x0: {  	(tag) =	ssettag $0x1  }
0x1: {  	s5 =	rddreg [dreg:$0x0]  }
0x2: {  	s6 =	rddreg [dreg:$0x1]  }
0x3: {  	s2 =	rddreg [dreg:$0x2];
	s4 =	simm.s32 $0x0;
	s1 =	stileid.u32  }
0x4: {  	[smem:$0x7FF] =	sst s4;
	s3 =	sshll.u32 s1, $0x7  }
0x5: {  	s0 =	rddreg [dreg:$0x3];
	_ =	strace $0x80000047;
	s5 =	sadd.s32 s5, s3  }
0x6: {  	[tilespmem:s4], [sflag:$0x1] =	stream.linear.gather [hbm4b:s5+s4], $0x400, $0x38;
	[tilespmem:$0xC00] =	vst v63  }
0x7: {  	s31 =	simm.s32 $0x1;
	s5 =	simm.s32 $0x400  }
0x8: {  	[tilespmem:s5], [sflag:$0x1] =	stream.linear.gather [hbm4b:s6+s4], $0x400, $0x38;
	[tilespmem:$0xC00] =	vst v63  }
0x9: {  	_ =	swait.ge [sflag:s31], $0x400  }
0xa: {  	[sflag:s31] =	ssyncset.done $0x0  }
0xb: {  	[sflag:s31] =	ssyncadd.s32 $0xFFFFFC00  }
0xc: {  	_ =	swait.ge [sflag:s31], $0x400  }
0xd: {  	[sflag:s31] =	ssyncset.done $0x0  }
0xe: {  	p0 =	por $0x1, $0x1;
	[sflag:s31] =	ssyncadd.s32 $0xFFFFFC00  }
.LBB2_1:
0xf: {  	v0 =	vld [tilespmem:s4+$0x0];
	s6 =	sor.u32 $0x10, s4  }
0x10: {  	s17 =	sor.u32 $0x20, s4;
	v1 =	vld [tilespmem:s6+$0x0]  }
0x11: {  	s18 =	sor.u32 $0x30, s4;
	v2 =	vld [tilespmem:s17+$0x0]  }
0x12: {  	s19 =	sor.u32 $0x40, s4;
	v3 =	vld [tilespmem:s18+$0x0]  }
0x13: {  	s20 =	sor.u32 $0x50, s4;
	v4 =	vld [tilespmem:s19+$0x0]  }
0x14: {  	s21 =	sor.u32 $0x60, s4;
	v5 =	vld [tilespmem:s20+$0x0]  }
0x15: {  	s22 =	sor.u32 $0x70, s4;
	v6 =	vld [tilespmem:s21+$0x0]  }
0x16: {  	s23 =	sor.u32 $0x80, s4;
	v7 =	vld [tilespmem:s22+$0x0]  }
0x17: {  	s24 =	sor.u32 $0x90, s4;
	v8 =	vld [tilespmem:s23+$0x0]  }
0x18: {  	s25 =	sor.u32 $0xA0, s4;
	v9 =	vld [tilespmem:s24+$0x0]  }
0x19: {  	s26 =	sor.u32 $0xB0, s4;
	v10 =	vld [tilespmem:s25+$0x0]  }
0x1a: {  	s28 =	sor.u32 $0xC0, s4;
	v11 =	vld [tilespmem:s26+$0x0]  }
0x1b: {  	s29 =	sor.u32 $0xD0, s4;
	v12 =	vld [tilespmem:s28+$0x0]  }
0x1c: {  	s30 =	sor.u32 $0xE0, s4;
	v56 =	vld [tilespmem:s29+$0x0]  }
0x1d: {  	s31 =	sor.u32 $0xF0, s4;
	v57 =	vld [tilespmem:s30+$0x0]  }
0x1e: {  	v58 =	vld [tilespmem:s31+$0x0]  }
0x1f: {  	v0 =	vld.idx.msk [tilespmem:v0+s5+$0x0], $0xffff  }
0x20: {  	v1 =	vld.idx.msk [tilespmem:v1+s5+$0x0], $0xffff  }
0x21: {  	v2 =	vld.idx.msk [tilespmem:v2+s5+$0x0], $0xffff  }
0x22: {  	v3 =	vld.idx.msk [tilespmem:v3+s5+$0x0], $0xffff  }
0x23: {  	v4 =	vld.idx.msk [tilespmem:v4+s5+$0x0], $0xffff  }
0x24: {  	v5 =	vld.idx.msk [tilespmem:v5+s5+$0x0], $0xffff;
	[tilespmem:s4+$0x800] =	vst v0  }
0x25: {  	v6 =	vld.idx.msk [tilespmem:v6+s5+$0x0], $0xffff;
	[tilespmem:s4+$0x810] =	vst v1  }
0x26: {  	v7 =	vld.idx.msk [tilespmem:v7+s5+$0x0], $0xffff;
	[tilespmem:s4+$0x820] =	vst v2  }
0x27: {  	v59 =	vld.idx.msk [tilespmem:v8+s5+$0x0], $0xffff;
	[tilespmem:s4+$0x830] =	vst v3  }
0x28: {  	v60 =	vld.idx.msk [tilespmem:v9+s5+$0x0], $0xffff;
	[tilespmem:s4+$0x840] =	vst v4  }
0x29: {  	v61 =	vld.idx.msk [tilespmem:v10+s5+$0x0], $0xffff;
	[tilespmem:s4+$0x850] =	vst v5  }
0x2a: {  	v62 =	vld.idx.msk [tilespmem:v11+s5+$0x0], $0xffff;
	[tilespmem:s4+$0x860] =	vst v6  }
0x2b: {  	v63 =	vld.idx.msk [tilespmem:v12+s5+$0x0], $0xffff;
	[tilespmem:s4+$0x870] =	vst v7  }
0x2c: {  	v0 =	vld.idx.msk [tilespmem:v56+s5+$0x0], $0xffff;
	[tilespmem:s4+$0x880] =	vst v59  }
0x2d: {  	[tilespmem:s4+$0x890] =	vst v60;
	v1 =	vld.idx.msk [tilespmem:v57+s5+$0x0], $0xffff  }
0x2e: {  	p1 =	por p0, p0;
	[tilespmem:s4+$0x8A0] =	vst v61;
	v2 =	vld.idx.msk [tilespmem:v58+s5+$0x0], $0xffff  }
.Ltmp0:
0x2f: {  	[tilespmem:s4+$0x8B0] =	vst v62;
	(pc) =	sbr.rel @p1 .LBB2_1-.Ltmp0, $4  }
0x30: {  	[tilespmem:s4+$0x8C0] =	vst v63  }
0x31: {  	[tilespmem:s4+$0x8D0] =	vst v0  }
0x32: {  	[tilespmem:s4+$0x8E0] =	vst v1  }
0x33: {  	p0 =	por $0x0, $0x0;
	[tilespmem:s4+$0x8F0] =	vst v2;
	s4 =	simm.s32 $0x100  }
0x34: {  	s4 =	sadd.s32 s2, s3  }
0x35: {  	s5 =	simm.s32 $0x0;
	s6 =	simm.s32 $0x800;
	s31 =	simm.s32 $0x2F0  }
0x36: {  	[hbm4b:s4+s5] =	stream.linear.scatter [tilespmem:s6], [sflag:$0x2], $0x200, $0x38;
	[tilespmem:$0xC00] =	vst v63  }
0x37: {  	v0 =	vld [tilespmem:s31+$0x0]  }
0x38: {  	v1 =	vld [tilespmem:s31+$0xFFFFFF20]  }
0x39: {  	v2 =	vld [tilespmem:s31+$0xFFFFFF30]  }
0x3a: {  	v3 =	vld [tilespmem:s31+$0xFFFFFF40]  }
0x3b: {  	v4 =	vld [tilespmem:s31+$0xFFFFFF50]  }
0x3c: {  	v5 =	vld [tilespmem:s31+$0xFFFFFF60]  }
0x3d: {  	v6 =	vld [tilespmem:s31+$0xFFFFFF70]  }
0x3e: {  	v7 =	vld [tilespmem:s31+$0xFFFFFF80]  }
0x3f: {  	v8 =	vld [tilespmem:s31+$0xFFFFFF90]  }
0x40: {  	v9 =	vld [tilespmem:s31+$0xFFFFFFA0]  }
0x41: {  	v10 =	vld [tilespmem:s31+$0xFFFFFFB0]  }
0x42: {  	v11 =	vld [tilespmem:s31+$0xFFFFFFC0]  }
0x43: {  	v12 =	vld [tilespmem:s31+$0xFFFFFFD0]  }
0x44: {  	v13 =	vld [tilespmem:s31+$0xFFFFFFE0]  }
0x45: {  	v14 =	vld [tilespmem:s31+$0xFFFFFFF0]  }
0x46: {  	s4 =	simm.s32 $0x400;
	v15 =	vld [tilespmem:s31+$0xFFFFFF10]  }
0x47: {  	v0 =	vld.idx.msk [tilespmem:v0+s4+$0x0], $0xffff  }
0x48: {  	v1 =	vld.idx.msk [tilespmem:v1+s4+$0x0], $0xffff  }
0x49: {  	v2 =	vld.idx.msk [tilespmem:v2+s4+$0x0], $0xffff  }
0x4a: {  	v3 =	vld.idx.msk [tilespmem:v3+s4+$0x0], $0xffff  }
0x4b: {  	v4 =	vld.idx.msk [tilespmem:v4+s4+$0x0], $0xffff  }
0x4c: {  	s5 =	simm.s32 $0xAF0;
	v5 =	vld.idx.msk [tilespmem:v5+s4+$0x0], $0xffff  }
0x4d: {  	v6 =	vld.idx.msk [tilespmem:v6+s4+$0x0], $0xffff;
	[tilespmem:s5+$0x0] =	vst v0  }
0x4e: {  	v7 =	vld.idx.msk [tilespmem:v7+s4+$0x0], $0xffff;
	[tilespmem:s5+$0xFFFFFF20] =	vst v1  }
0x4f: {  	v15 =	vld.idx.msk [tilespmem:v15+s4+$0x0], $0xffff;
	[tilespmem:s5+$0xFFFFFF30] =	vst v2  }
0x50: {  	v8 =	vld.idx.msk [tilespmem:v8+s4+$0x0], $0xffff;
	[tilespmem:s5+$0xFFFFFF40] =	vst v3  }
0x51: {  	[tilespmem:s5+$0xFFFFFF50] =	vst v4;
	v0 =	vld.idx.msk [tilespmem:v9+s4+$0x0], $0xffff  }
0x52: {  	[tilespmem:s5+$0xFFFFFF60] =	vst v5;
	v1 =	vld.idx.msk [tilespmem:v10+s4+$0x0], $0xffff  }
0x53: {  	[tilespmem:s5+$0xFFFFFF70] =	vst v6;
	v2 =	vld.idx.msk [tilespmem:v11+s4+$0x0], $0xffff  }
0x54: {  	[tilespmem:s5+$0xFFFFFF80] =	vst v7;
	v3 =	vld.idx.msk [tilespmem:v12+s4+$0x0], $0xffff  }
0x55: {  	[tilespmem:s5+$0xFFFFFF10] =	vst v15;
	v4 =	vld.idx.msk [tilespmem:v13+s4+$0x0], $0xffff  }
0x56: {  	s7 =	simm.s32 $0x3F0;
	s6 =	simm.s32 $0x200;
	[tilespmem:s5+$0xFFFFFF90] =	vst v8;
	v5 =	vld.idx.msk [tilespmem:v14+s4+$0x0], $0xffff  }
.LBB2_3:
0x57: {  	v6 =	vld [tilespmem:s7+$0x0];
	s6 =	sadd.s32 $0x100, s6;
	[tilespmem:s5+$0xFFFFFFA0] =	vst v0  }
0x58: {  	v0 =	vld [tilespmem:s7+$0xFFFFFF20];
	p0 =	slt.u32 s6, $0x300;
	[tilespmem:s5+$0xFFFFFFB0] =	vst v1  }
0x59: {  	v1 =	vld [tilespmem:s7+$0xFFFFFF30];
	[tilespmem:s5+$0xFFFFFFC0] =	vst v2  }
0x5a: {  	v2 =	vld [tilespmem:s7+$0xFFFFFF40];
	[tilespmem:s5+$0xFFFFFFD0] =	vst v3  }
0x5b: {  	v3 =	vld [tilespmem:s7+$0xFFFFFF50];
	[tilespmem:s5+$0xFFFFFFE0] =	vst v4  }
0x5c: {  	v4 =	vld [tilespmem:s7+$0xFFFFFF60];
	[tilespmem:s5+$0xFFFFFFF0] =	vst v5  }
0x5d: {  	v5 =	vld [tilespmem:s7+$0xFFFFFF70]  }
0x5e: {  	v7 =	vld [tilespmem:s7+$0xFFFFFF80]  }
0x5f: {  	v6 =	vld.idx.msk [tilespmem:v6+s4+$0x0], $0xffff  }
0x60: {  	v8 =	vld [tilespmem:s7+$0xFFFFFF90]  }
0x61: {  	v9 =	vld [tilespmem:s7+$0xFFFFFFA0]  }
0x62: {  	v10 =	vld [tilespmem:s7+$0xFFFFFFB0]  }
0x63: {  	v11 =	vld [tilespmem:s7+$0xFFFFFFC0]  }
0x64: {  	s5 =	sadd.s32 $0x100, s5;
	v12 =	vld [tilespmem:s7+$0xFFFFFFD0]  }
0x65: {  	v13 =	vld [tilespmem:s7+$0xFFFFFFE0];
	[tilespmem:s5+$0x0] =	vst v6  }
0x66: {  	v6 =	vld [tilespmem:s7+$0xFFFFFFF0]  }
0x67: {  	v14 =	vld [tilespmem:s7+$0xFFFFFF10]  }
0x68: {  	v0 =	vld.idx.msk [tilespmem:v0+s4+$0x0], $0xffff  }
0x69: {  	v1 =	vld.idx.msk [tilespmem:v1+s4+$0x0], $0xffff  }
0x6a: {  	v2 =	vld.idx.msk [tilespmem:v2+s4+$0x0], $0xffff  }
0x6b: {  	v3 =	vld.idx.msk [tilespmem:v3+s4+$0x0], $0xffff  }
0x6c: {  	v4 =	vld.idx.msk [tilespmem:v4+s4+$0x0], $0xffff  }
0x6d: {  	v5 =	vld.idx.msk [tilespmem:v5+s4+$0x0], $0xffff  }
0x6e: {  	[tilespmem:s5+$0xFFFFFF20] =	vst v0;
	v7 =	vld.idx.msk [tilespmem:v7+s4+$0x0], $0xffff  }
0x6f: {  	v14 =	vld.idx.msk [tilespmem:v14+s4+$0x0], $0xffff;
	[tilespmem:s5+$0xFFFFFF30] =	vst v1  }
0x70: {  	[tilespmem:s5+$0xFFFFFF40] =	vst v2;
	v8 =	vld.idx.msk [tilespmem:v8+s4+$0x0], $0xffff  }
0x71: {  	[tilespmem:s5+$0xFFFFFF50] =	vst v3;
	v0 =	vld.idx.msk [tilespmem:v9+s4+$0x0], $0xffff  }
.Ltmp1:
0x72: {  	[tilespmem:s5+$0xFFFFFF60] =	vst v4;
	v1 =	vld.idx.msk [tilespmem:v10+s4+$0x0], $0xffff;
	(pc) =	sbr.rel @p0 .LBB2_3-.Ltmp1, $4  }
0x73: {  	[tilespmem:s5+$0xFFFFFF70] =	vst v5;
	v2 =	vld.idx.msk [tilespmem:v11+s4+$0x0], $0xffff  }
0x74: {  	[tilespmem:s5+$0xFFFFFF80] =	vst v7;
	v3 =	vld.idx.msk [tilespmem:v12+s4+$0x0], $0xffff  }
0x75: {  	[tilespmem:s5+$0xFFFFFF10] =	vst v14;
	v4 =	vld.idx.msk [tilespmem:v13+s4+$0x0], $0xffff  }
0x76: {  	s7 =	sadd.s32 $0x100, s7;
	[tilespmem:s5+$0xFFFFFF90] =	vst v8;
	v5 =	vld.idx.msk [tilespmem:v6+s4+$0x0], $0xffff  }
0x77: {  	[tilespmem:s5+$0xFFFFFFA0] =	vst v0  }
0x78: {  	[tilespmem:s5+$0xFFFFFFB0] =	vst v1  }
0x79: {  	[tilespmem:s5+$0xFFFFFFC0] =	vst v2  }
0x7a: {  	[tilespmem:s5+$0xFFFFFFD0] =	vst v3  }
0x7b: {  	s2 =	sadd.s32 s3, s2;
	s30 =	simm.s32 $0x0;
	[tilespmem:s5+$0xFFFFFFE0] =	vst v4  }
0x7c: {  	s4 =	simm.s32 $0xA00;
	s31 =	simm.s32 $0x2;
	s2 =	sadd.s32 $0x40, s2;
	[tilespmem:s5+$0xFFFFFFF0] =	vst v5  }
0x7d: {  	[hbm4b:s2+s30] =	stream.linear.scatter [tilespmem:s4], [sflag:$0x2], $0x200, $0x38;
	[tilespmem:$0xC00] =	vst v63  }
0x7e: {  	_ =	swait.ge [sflag:s31], $0x200  }
0x7f: {  	[sflag:s31] =	ssyncset.done $0x0  }
0x80: {  	[sflag:s31] =	ssyncadd.s32 $0xFFFFFE00  }
0x81: {  	_ =	swait.ge [sflag:s31], $0x200  }
0x82: {  	[sflag:s31] =	ssyncset.done $0x0  }
0x83: {  	[sflag:s31] =	ssyncadd.s32 $0xFFFFFE00  }
0x84: {  	_ =	sfence.sel $0x180000  }
0x85: {  	[bflag:$0x0] =	sbarrier.arrive $0xFFFF  }
0x86: {  	p0 =	sne.s32 s1, $0x0;
	_ =	strace $0x90000047  }
0x87: {  	s0 =	sadd.s32 @!p0 $0x100000, s0;
	[bflag:$0x2] =	sbarrier.arrive $0xFFFF  }
0x88: {  	[sflag:s0] =	ssyncadd.tile.s32 @!p0 $0x1;
	_ =	shalt  }
.Lfunc_end2:
_tile_overlayer_lowered:
.L_overlay_start_2:
0x89: {  	(tag) =	ssettag $0x2  }
0x8a: {  	s0 =	rddreg [dreg:$0x0];
	s2 =	stileid.u32  }
0x8b: {  	s1 =	rddreg [dreg:$0x1];
	p0 =	sne.s32 s2, $0x0  }
0x8c: {  	s3 =	rddreg [dreg:$0x2];
	[bflag:$0x3] =	sbarrier.arrive $0xFFFF;
	s2 =	simm.s32 @!p0 $0x1C03  }
0x8d: {  	[timem:s3], [sflag:s2] =	dma.local @!p0 [hbm:s0], s1  }
0x8e: {  	s0 =	simm.s32 @!p0 $0x3  }
0x8f: {  	_ =	swait.ge @!p0 [sflag:s0], s1  }
0x90: {  	s1 =	ssub.s32 @!p0 $0x0, s1;
	[sflag:s0] =	ssyncset.done @!p0 $0x0  }
0x91: {  	[sflag:s0] =	ssyncadd.s32 @!p0 s1  }
0x92: {  	[bflag:$0x3] =	sbarrier.arrive $0xFFFF  }
0x93: {  	_ =	shalt  }

</sc_bundles>
